<compile_context>
chip_gen: v7x
topology: tpu7x:2x2x1
jax: 0.10.2.dev20260603
libtpu: 0.0.44.dev20260713+nightly
codegen_flags: <defaults>
</compile_context>

<pallas_src>
import jax
import jax.numpy as jnp
from jax import lax
from jax.experimental import pallas as pl
from jax.experimental.pallas import tpu as pltpu
from jax.experimental.pallas import tpu_sc as plsc

_N = 10000
_E = 160000
_D = 256
_C = 256

_NC = 2
_NS = 16
_NW = _NC * _NS
_L = 16

_EPW = 4992
_UNROLL = 4
_UNROLL_S = 8
_FULL = _EPW // (_L * _UNROLL_S)
_REM_BASE = _NW * _EPW
_XTRA = 128
_IDXBUF = _EPW + _XTRA
_HIST = 10048

_BR = 2048
_GRID = (_N + _BR - 1) // _BR


def _hist_body(ei_ref, out_ref, idx_v, hist_v):
    wid = lax.axis_index("s") * _NC + lax.axis_index("c")
    base = pl.multiple_of(wid * _EPW, 128)
    pltpu.sync_copy(ei_ref.at[:, pl.ds(base, _EPW)],
                    idx_v.at[:, pl.ds(0, _EPW)])

    @pl.when(wid < 2)
    def _():
        xbase = pl.multiple_of(_REM_BASE + wid * _XTRA, 128)
        pltpu.sync_copy(ei_ref.at[:, pl.ds(xbase, _XTRA)],
                        idx_v.at[:, pl.ds(_EPW, _XTRA)])

    zeros = jnp.zeros((_L,), jnp.float32)

    def zbody(i, c):
        for u in range(_UNROLL):
            hist_v[pl.ds((i * _UNROLL + u) * _L, _L)] = zeros
        return c

    lax.fori_loop(0, _HIST // (_L * _UNROLL), zbody, 0)

    ones = jnp.ones((_L,), jnp.float32)

    def sbody(j, c):
        ivs = [idx_v[1, pl.ds((j * _UNROLL_S + u) * _L, _L)]
               for u in range(_UNROLL_S)]
        for iv in ivs:
            plsc.addupdate_scatter(hist_v, [iv], ones)
        return c

    lax.fori_loop(0, _FULL, sbody, 0)

    @pl.when(wid < 2)
    def _():
        def xbody(k, c):
            ivs = [idx_v[1, pl.ds(_EPW + (k * _UNROLL_S + u) * _L, _L)]
                   for u in range(_UNROLL_S)]
            for iv in ivs:
                plsc.addupdate_scatter(hist_v, [iv], ones)
            return c

        lax.fori_loop(0, _XTRA // (_L * _UNROLL_S), xbody, 0)

    pltpu.sync_copy(hist_v, out_ref.at[wid])


_hist = pl.kernel(
    _hist_body,
    out_type=jax.ShapeDtypeStruct((_NW, _HIST), jnp.float32),
    mesh=plsc.VectorSubcoreMesh(core_axis_name="c", subcore_axis_name="s"),
    scratch_types=[
        pltpu.VMEM((2, _IDXBUF), jnp.int32),
        pltpu.VMEM((_HIST,), jnp.float32),
    ],
    compiler_params=pltpu.CompilerParams(needs_layout_passes=False),
)


def _mm_body(x_ref, w_ref, part_ref, o_ref):
    deg = jnp.sum(part_ref[...], axis=0) + 1.0
    acc = lax.dot_general(x_ref[...], w_ref[...],
                          (((1,), (1,)), ((), ())),
                          preferred_element_type=jnp.float32)
    o_ref[...] = acc * deg[:, None]


def kernel(x, edge_index, embedding, W, att_i, att_j, att_em_i, att_em_j):
    n = x.shape[0]
    partials = _hist(edge_index)

    out = pl.pallas_call(
        _mm_body,
        grid=(_GRID,),
        in_specs=[
            pl.BlockSpec((_BR, _D), lambda i: (i, 0)),
            pl.BlockSpec((_C, _D), lambda i: (0, 0)),
            pl.BlockSpec((_NW, _BR), lambda i: (0, i)),
        ],
        out_specs=pl.BlockSpec((_BR, _C), lambda i: (i, 0)),
        out_shape=jax.ShapeDtypeStruct((n, _C), jnp.float32),
    )(x, W, partials)
    return out

# --- scband reference (transcript-rebuilt; emitter-appended) ---
"""Pipeline reference for scband-graph-layer-627065225884 (READ-ONLY COPY).

The authoritative reference and input builder live on the scoring server;
editing this copy changes nothing except your own understanding.
"""

import jax, jax.numpy as jnp
import numpy as np

N = 10000
E = 160000
D = 256
H = 1
C = 256

def setup_inputs(seed: int = 0) -> dict:
    key = jax.random.key(seed)
    ks = jax.random.split(key, 6)
    x = jax.random.normal(ks[0], (N, D), dtype=jnp.float32)
    edge_index = jax.random.randint(ks[1], (2, E), 0, N, dtype=jnp.int32)
    embedding = jax.random.normal(ks[2], (N, C), dtype=jnp.float32)
    # learned params (xavier-like for lin/att, zeros for att_em per reset_parameters)
    W = jax.random.normal(ks[3], (H * C, D), dtype=jnp.float32) * float(np.sqrt(2.0 / (D + H * C)))
    att_i = jax.random.normal(ks[4], (1, H, C), dtype=jnp.float32) * float(np.sqrt(2.0 / (H * C + 1)))
    att_j = jax.random.normal(ks[5], (1, H, C), dtype=jnp.float32) * float(np.sqrt(2.0 / (H * C + 1)))
    att_em_i = jnp.zeros((1, H, C), dtype=jnp.float32)
    att_em_j = jnp.zeros((1, H, C), dtype=jnp.float32)
    return {"x": x, "edge_index": edge_index, "embedding": embedding, "W": W,
            "att_i": att_i, "att_j": att_j, "att_em_i": att_em_i, "att_em_j": att_em_j}


def reference(x, edge_index, embedding, W, att_i, att_j, att_em_i, att_em_j):
    n = x.shape[0]
    heads = att_i.shape[1]
    out_ch = att_i.shape[2]
    # x = self.lin(x).view(-1, heads, out_channels)
    xp = (x @ W.T).reshape(n, heads, out_ch)
    # add_self_loop(g)
    loops = jnp.arange(n, dtype=edge_index.dtype)
    src = jnp.concatenate([edge_index[0], loops])
    dst = jnp.concatenate([edge_index[1], loops])
    # message_func
    x_i = xp[src]                      # [E', H, C] (src features, named x_i in module)
    x_j = xp[dst]                      # [E', H, C] (dst features, named x_j in module)
    emb_i = embedding[src][:, None, :]  # [E', 1, C]
    emb_j = embedding[dst][:, None, :]
    emb_i = jnp.broadcast_to(emb_i, (src.shape[0], heads, emb_i.shape[-1]))
    emb_j = jnp.broadcast_to(emb_j, (dst.shape[0], heads, emb_j.shape[-1]))
    key_i = jnp.concatenate([x_i, emb_i], axis=-1)  # [E', H, 2C]
    key_j = jnp.concatenate([x_j, emb_j], axis=-1)
    cat_att_i = jnp.concatenate([att_i, att_em_i], axis=-1)  # [1, H, 2C]
    cat_att_j = jnp.concatenate([att_j, att_em_j], axis=-1)
    alpha = (key_i * cat_att_i).sum(axis=-1) + (key_j * cat_att_j).sum(axis=-1)  # [E', H]
    alpha = jax.nn.leaky_relu(alpha, negative_slope=0.2)
    alpha = jax.nn.softmax(alpha, axis=1)  # softmax over heads dim, as in module
    # dropout p=0 in eval -> no-op
    msg = x_j * alpha[..., None]  # [E', H, C]
    # reduce at destination nodes (mailbox aggregation)
    out = jax.ops.segment_sum(msg, dst, num_segments=n)  # [N, H, C]
    # return x.mean(dim=1)
    return out.mean(axis=1)

if __name__ == "__main__":
    import jax
    _d = setup_inputs()
    print(jax.jit(kernel)(*tuple(_d.values())))

</pallas_src>

<mosaic_0001>
#map = affine_map<(d0, d1) -> (0, 0)>
module attributes {stable_mosaic.version = 14 : i64} {
  func.func @_hist_body(%arg0: i32, %arg1: i32, %arg2: memref<2x160000xi32, #tpu.memory_space<hbm>>, %arg3: memref<32x10048xf32, #tpu.memory_space<hbm>>, %arg4: memref<2x5120xi32, #tpu.memory_space<vmem>>, %arg5: memref<10048xf32, #tpu.memory_space<vmem>>) attributes {dimension_semantics = [#tpu.dimension_semantics<core_parallel>, #tpu.dimension_semantics<subcore_parallel>], iteration_bounds = array<i64: 2, 16>, scalar_prefetch = 0 : i64, scratch_operands = 2 : i64, tpu.core_type = #tpu.core_type<sc_vector_subcore>, window_params = [{transform_indices = #map}, {transform_indices = #map}]} {
    %mul3A = arith.constant 2 : i32
    %mul3A_0 = arith.muli %arg1, %mul3A : i32
    %add3A = arith.addi %mul3A_0, %arg0 : i32
    %mul3A_1 = arith.constant 4992 : i32
    %mul3A_2 = arith.muli %add3A, %mul3A_1 : i32
    %multiple_of3A = tpu.assume_multiple %mul3A_2, 128 : i32
    "tpu.region"() ({
      %run_scoped3A = tpu.sem_alloc : memref<!tpu.dma_semaphore, #tpu.memory_space<semaphore_mem>>
      %dma_start3A = arith.constant 0 : i32
      %dma_start3A_24 = arith.constant 0 : i32
      %dma_start3A_25 = tpu.memref_slice %arg4[%dma_start3A, %dma_start3A_24] : memref<2x5120xi32, #tpu.memory_space<vmem>> -> memref<2x4992xi32, #tpu.memory_space<vmem>>
      %dma_start3A_26 = arith.constant 0 : i32
      %dma_start3A_27 = tpu.memref_slice %arg2[%dma_start3A_26, %multiple_of3A] : memref<2x160000xi32, #tpu.memory_space<hbm>> -> memref<2x4992xi32, #tpu.memory_space<hbm>>
      %dma_start3A_28 = arith.constant 0 : i32
      %dma_start3A_29 = arith.constant 0 : i32
      %dma_start3A_30 = tpu.memref_slice %arg4[%dma_start3A_28, %dma_start3A_29] : memref<2x5120xi32, #tpu.memory_space<vmem>> -> memref<2x4992xi32, #tpu.memory_space<vmem>>
      %dma_start3A_31 = arith.constant 0 : i32
      %dma_start3A_32 = tpu.memref_slice %arg2[%dma_start3A_31, %multiple_of3A] : memref<2x160000xi32, #tpu.memory_space<hbm>> -> memref<2x4992xi32, #tpu.memory_space<hbm>>
      tpu.enqueue_dma source(%dma_start3A_32 : memref<2x4992xi32, #tpu.memory_space<hbm>>) target(%dma_start3A_30 : memref<2x4992xi32, #tpu.memory_space<vmem>>) target_semaphore(%run_scoped3A : memref<!tpu.dma_semaphore, #tpu.memory_space<semaphore_mem>>)
      %dma_wait3A = arith.constant 0 : i32
      %dma_wait3A_33 = arith.constant 0 : i32
      %dma_wait3A_34 = tpu.memref_slice %arg4[%dma_wait3A, %dma_wait3A_33] : memref<2x5120xi32, #tpu.memory_space<vmem>> -> memref<2x4992xi32, #tpu.memory_space<vmem>>
      %dma_wait3A_35 = arith.constant 0 : i32
      %dma_wait3A_36 = tpu.memref_slice %arg2[%dma_wait3A_35, %multiple_of3A] : memref<2x160000xi32, #tpu.memory_space<hbm>> -> memref<2x4992xi32, #tpu.memory_space<hbm>>
      %dma_wait3A_37 = arith.constant 0 : i32
      %dma_wait3A_38 = arith.constant 0 : i32
      %dma_wait3A_39 = tpu.memref_slice %arg4[%dma_wait3A_37, %dma_wait3A_38] : memref<2x5120xi32, #tpu.memory_space<vmem>> -> memref<2x4992xi32, #tpu.memory_space<vmem>>
      %dma_wait3A_40 = arith.constant 0 : i32
      %dma_wait3A_41 = tpu.memref_slice %arg2[%dma_wait3A_40, %multiple_of3A] : memref<2x160000xi32, #tpu.memory_space<hbm>> -> memref<2x4992xi32, #tpu.memory_space<hbm>>
      tpu.wait_dma2 semaphore(%run_scoped3A : memref<!tpu.dma_semaphore, #tpu.memory_space<semaphore_mem>>) src(%dma_wait3A_41 : memref<2x4992xi32, #tpu.memory_space<hbm>>) dst(%dma_wait3A_39 : memref<2x4992xi32, #tpu.memory_space<vmem>>)
      tpu.yield
    }) : () -> ()
    %lt3A = arith.constant 2 : i32
    %lt3A_3 = arith.cmpi slt, %add3A, %lt3A : i32
    %convert_element_type3A = arith.extui %lt3A_3 : i1 to i32
    %cond3A = arith.constant 0 : i32
    %cond3A_4 = arith.cmpi ne, %convert_element_type3A, %cond3A : i32
    scf.if %cond3A_4 {
      %mul3A_24 = arith.constant 128 : i32
      %mul3A_25 = arith.muli %add3A, %mul3A_24 : i32
      %add3A_26 = arith.constant 159744 : i32
      %add3A_27 = arith.addi %add3A_26, %mul3A_25 : i32
      %multiple_of3A_28 = tpu.assume_multiple %add3A_27, 128 : i32
      "tpu.region"() ({
        %run_scoped3A = tpu.sem_alloc : memref<!tpu.dma_semaphore, #tpu.memory_space<semaphore_mem>>
        %dma_start3A = arith.constant 0 : i32
        %dma_start3A_29 = arith.constant 4992 : i32
        %dma_start3A_30 = tpu.memref_slice %arg4[%dma_start3A, %dma_start3A_29] : memref<2x5120xi32, #tpu.memory_space<vmem>> -> memref<2x128xi32, #tpu.memory_space<vmem>>
        %dma_start3A_31 = arith.constant 0 : i32
        %dma_start3A_32 = tpu.memref_slice %arg2[%dma_start3A_31, %multiple_of3A_28] : memref<2x160000xi32, #tpu.memory_space<hbm>> -> memref<2x128xi32, #tpu.memory_space<hbm>>
        %dma_start3A_33 = arith.constant 0 : i32
        %dma_start3A_34 = arith.constant 4992 : i32
        %dma_start3A_35 = tpu.memref_slice %arg4[%dma_start3A_33, %dma_start3A_34] : memref<2x5120xi32, #tpu.memory_space<vmem>> -> memref<2x128xi32, #tpu.memory_space<vmem>>
        %dma_start3A_36 = arith.constant 0 : i32
        %dma_start3A_37 = tpu.memref_slice %arg2[%dma_start3A_36, %multiple_of3A_28] : memref<2x160000xi32, #tpu.memory_space<hbm>> -> memref<2x128xi32, #tpu.memory_space<hbm>>
        tpu.enqueue_dma source(%dma_start3A_37 : memref<2x128xi32, #tpu.memory_space<hbm>>) target(%dma_start3A_35 : memref<2x128xi32, #tpu.memory_space<vmem>>) target_semaphore(%run_scoped3A : memref<!tpu.dma_semaphore, #tpu.memory_space<semaphore_mem>>)
        %dma_wait3A = arith.constant 0 : i32
        %dma_wait3A_38 = arith.constant 4992 : i32
        %dma_wait3A_39 = tpu.memref_slice %arg4[%dma_wait3A, %dma_wait3A_38] : memref<2x5120xi32, #tpu.memory_space<vmem>> -> memref<2x128xi32, #tpu.memory_space<vmem>>
        %dma_wait3A_40 = arith.constant 0 : i32
        %dma_wait3A_41 = tpu.memref_slice %arg2[%dma_wait3A_40, %multiple_of3A_28] : memref<2x160000xi32, #tpu.memory_space<hbm>> -> memref<2x128xi32, #tpu.memory_space<hbm>>
        %dma_wait3A_42 = arith.constant 0 : i32
        %dma_wait3A_43 = arith.constant 4992 : i32
        %dma_wait3A_44 = tpu.memref_slice %arg4[%dma_wait3A_42, %dma_wait3A_43] : memref<2x5120xi32, #tpu.memory_space<vmem>> -> memref<2x128xi32, #tpu.memory_space<vmem>>
        %dma_wait3A_45 = arith.constant 0 : i32
        %dma_wait3A_46 = tpu.memref_slice %arg2[%dma_wait3A_45, %multiple_of3A_28] : memref<2x160000xi32, #tpu.memory_space<hbm>> -> memref<2x128xi32, #tpu.memory_space<hbm>>
        tpu.wait_dma2 semaphore(%run_scoped3A : memref<!tpu.dma_semaphore, #tpu.memory_space<semaphore_mem>>) src(%dma_wait3A_46 : memref<2x128xi32, #tpu.memory_space<hbm>>) dst(%dma_wait3A_44 : memref<2x128xi32, #tpu.memory_space<vmem>>)
        tpu.yield
      }) : () -> ()
    } else {
    }
    %broadcast_in_dim3A = arith.constant 0.000000e+00 : f32
    %broadcast_in_dim3A_5 = vector.broadcast %broadcast_in_dim3A : f32 to vector<16xf32>
    %scan3A = arith.constant 0 : i32
    %scan3A_6 = arith.constant 0 : i32
    %scan3A_7 = arith.constant 157 : i32
    %scan3A_8 = arith.addi %scan3A_6, %scan3A_7 : i32
    %scan3A_9 = arith.constant 1 : i32
    scf.for %scan3A_24 = %scan3A_6 to %scan3A_8 step %scan3A_9  : i32 {
      %mul3A_25 = arith.constant 4 : i32
      %mul3A_26 = arith.muli %scan3A_24, %mul3A_25 : i32
      %add3A_27 = arith.constant 0 : i32
      %add3A_28 = arith.addi %mul3A_26, %add3A_27 : i32
      %mul3A_29 = arith.constant 16 : i32
      %mul3A_30 = arith.muli %add3A_28, %mul3A_29 : i32
      %swap3A = arith.index_cast %mul3A_30 : i32 to index
      %swap3A_31 = tpu.vector_load %arg5[%swap3A] {strides = array<i32>} : memref<10048xf32, #tpu.memory_space<vmem>>, vector<16xf32>,
      tpu.vector_store %arg5[%swap3A], %broadcast_in_dim3A_5 {strides = array<i32>} : memref<10048xf32, #tpu.memory_space<vmem>>, vector<16xf32>,
      %mul3A_32 = arith.constant 4 : i32
      %mul3A_33 = arith.muli %scan3A_24, %mul3A_32 : i32
      %add3A_34 = arith.constant 1 : i32
      %add3A_35 = arith.addi %mul3A_33, %add3A_34 : i32
      %mul3A_36 = arith.constant 16 : i32
      %mul3A_37 = arith.muli %add3A_35, %mul3A_36 : i32
      %swap3A_38 = arith.index_cast %mul3A_37 : i32 to index
      %swap3A_39 = tpu.vector_load %arg5[%swap3A_38] {strides = array<i32>} : memref<10048xf32, #tpu.memory_space<vmem>>, vector<16xf32>,
      tpu.vector_store %arg5[%swap3A_38], %broadcast_in_dim3A_5 {strides = array<i32>} : memref<10048xf32, #tpu.memory_space<vmem>>, vector<16xf32>,
      %mul3A_40 = arith.constant 4 : i32
      %mul3A_41 = arith.muli %scan3A_24, %mul3A_40 : i32
      %add3A_42 = arith.constant 2 : i32
      %add3A_43 = arith.addi %mul3A_41, %add3A_42 : i32
      %mul3A_44 = arith.constant 16 : i32
      %mul3A_45 = arith.muli %add3A_43, %mul3A_44 : i32
      %swap3A_46 = arith.index_cast %mul3A_45 : i32 to index
      %swap3A_47 = tpu.vector_load %arg5[%swap3A_46] {strides = array<i32>} : memref<10048xf32, #tpu.memory_space<vmem>>, vector<16xf32>,
      tpu.vector_store %arg5[%swap3A_46], %broadcast_in_dim3A_5 {strides = array<i32>} : memref<10048xf32, #tpu.memory_space<vmem>>, vector<16xf32>,
      %mul3A_48 = arith.constant 4 : i32
      %mul3A_49 = arith.muli %scan3A_24, %mul3A_48 : i32
      %add3A_50 = arith.constant 3 : i32
      %add3A_51 = arith.addi %mul3A_49, %add3A_50 : i32
      %mul3A_52 = arith.constant 16 : i32
      %mul3A_53 = arith.muli %add3A_51, %mul3A_52 : i32
      %swap3A_54 = arith.index_cast %mul3A_53 : i32 to index
      %swap3A_55 = tpu.vector_load %arg5[%swap3A_54] {strides = array<i32>} : memref<10048xf32, #tpu.memory_space<vmem>>, vector<16xf32>,
      tpu.vector_store %arg5[%swap3A_54], %broadcast_in_dim3A_5 {strides = array<i32>} : memref<10048xf32, #tpu.memory_space<vmem>>, vector<16xf32>,
    }
    %scan3A_10 = arith.constant 157 : i32
    %broadcast_in_dim3A_11 = arith.constant 1.000000e+00 : f32
    %broadcast_in_dim3A_12 = vector.broadcast %broadcast_in_dim3A_11 : f32 to vector<16xf32>
    %scan3A_13 = arith.constant 0 : i32
    %scan3A_14 = arith.constant 0 : i32
    %scan3A_15 = arith.constant 39 : i32
    %scan3A_16 = arith.addi %scan3A_14, %scan3A_15 : i32
    %scan3A_17 = arith.constant 1 : i32
    scf.for %scan3A_24 = %scan3A_14 to %scan3A_16 step %scan3A_17  : i32 {
      %mul3A_25 = arith.constant 8 : i32
      %mul3A_26 = arith.muli %scan3A_24, %mul3A_25 : i32
      %add3A_27 = arith.constant 0 : i32
      %add3A_28 = arith.addi %mul3A_26, %add3A_27 : i32
      %mul3A_29 = arith.constant 16 : i32
      %mul3A_30 = arith.muli %add3A_28, %mul3A_29 : i32
      %get3A = arith.constant 1 : i32
      %get3A_31 = arith.index_cast %get3A : i32 to index
      %get3A_32 = arith.index_cast %mul3A_30 : i32 to index
      %get3A_33 = tpu.vector_load %arg4[%get3A_31, %get3A_32] {strides = array<i32>} : memref<2x5120xi32, #tpu.memory_space<vmem>>, vector<16xi32>,
      %mul3A_34 = arith.constant 8 : i32
      %mul3A_35 = arith.muli %scan3A_24, %mul3A_34 : i32
      %add3A_36 = arith.constant 1 : i32
      %add3A_37 = arith.addi %mul3A_35, %add3A_36 : i32
      %mul3A_38 = arith.constant 16 : i32
      %mul3A_39 = arith.muli %add3A_37, %mul3A_38 : i32
      %get3A_40 = arith.constant 1 : i32
      %get3A_41 = arith.index_cast %get3A_40 : i32 to index
      %get3A_42 = arith.index_cast %mul3A_39 : i32 to index
      %get3A_43 = tpu.vector_load %arg4[%get3A_41, %get3A_42] {strides = array<i32>} : memref<2x5120xi32, #tpu.memory_space<vmem>>, vector<16xi32>,
      %mul3A_44 = arith.constant 8 : i32
      %mul3A_45 = arith.muli %scan3A_24, %mul3A_44 : i32
      %add3A_46 = arith.constant 2 : i32
      %add3A_47 = arith.addi %mul3A_45, %add3A_46 : i32
      %mul3A_48 = arith.constant 16 : i32
      %mul3A_49 = arith.muli %add3A_47, %mul3A_48 : i32
      %get3A_50 = arith.constant 1 : i32
      %get3A_51 = arith.index_cast %get3A_50 : i32 to index
      %get3A_52 = arith.index_cast %mul3A_49 : i32 to index
      %get3A_53 = tpu.vector_load %arg4[%get3A_51, %get3A_52] {strides = array<i32>} : memref<2x5120xi32, #tpu.memory_space<vmem>>, vector<16xi32>,
      %mul3A_54 = arith.constant 8 : i32
      %mul3A_55 = arith.muli %scan3A_24, %mul3A_54 : i32
      %add3A_56 = arith.constant 3 : i32
      %add3A_57 = arith.addi %mul3A_55, %add3A_56 : i32
      %mul3A_58 = arith.constant 16 : i32
      %mul3A_59 = arith.muli %add3A_57, %mul3A_58 : i32
      %get3A_60 = arith.constant 1 : i32
      %get3A_61 = arith.index_cast %get3A_60 : i32 to index
      %get3A_62 = arith.index_cast %mul3A_59 : i32 to index
      %get3A_63 = tpu.vector_load %arg4[%get3A_61, %get3A_62] {strides = array<i32>} : memref<2x5120xi32, #tpu.memory_space<vmem>>, vector<16xi32>,
      %mul3A_64 = arith.constant 8 : i32
      %mul3A_65 = arith.muli %scan3A_24, %mul3A_64 : i32
      %add3A_66 = arith.constant 4 : i32
      %add3A_67 = arith.addi %mul3A_65, %add3A_66 : i32
      %mul3A_68 = arith.constant 16 : i32
      %mul3A_69 = arith.muli %add3A_67, %mul3A_68 : i32
      %get3A_70 = arith.constant 1 : i32
      %get3A_71 = arith.index_cast %get3A_70 : i32 to index
      %get3A_72 = arith.index_cast %mul3A_69 : i32 to index
      %get3A_73 = tpu.vector_load %arg4[%get3A_71, %get3A_72] {strides = array<i32>} : memref<2x5120xi32, #tpu.memory_space<vmem>>, vector<16xi32>,
      %mul3A_74 = arith.constant 8 : i32
      %mul3A_75 = arith.muli %scan3A_24, %mul3A_74 : i32
      %add3A_76 = arith.constant 5 : i32
      %add3A_77 = arith.addi %mul3A_75, %add3A_76 : i32
      %mul3A_78 = arith.constant 16 : i32
      %mul3A_79 = arith.muli %add3A_77, %mul3A_78 : i32
      %get3A_80 = arith.constant 1 : i32
      %get3A_81 = arith.index_cast %get3A_80 : i32 to index
      %get3A_82 = arith.index_cast %mul3A_79 : i32 to index
      %get3A_83 = tpu.vector_load %arg4[%get3A_81, %get3A_82] {strides = array<i32>} : memref<2x5120xi32, #tpu.memory_space<vmem>>, vector<16xi32>,
      %mul3A_84 = arith.constant 8 : i32
      %mul3A_85 = arith.muli %scan3A_24, %mul3A_84 : i32
      %add3A_86 = arith.constant 6 : i32
      %add3A_87 = arith.addi %mul3A_85, %add3A_86 : i32
      %mul3A_88 = arith.constant 16 : i32
      %mul3A_89 = arith.muli %add3A_87, %mul3A_88 : i32
      %get3A_90 = arith.constant 1 : i32
      %get3A_91 = arith.index_cast %get3A_90 : i32 to index
      %get3A_92 = arith.index_cast %mul3A_89 : i32 to index
      %get3A_93 = tpu.vector_load %arg4[%get3A_91, %get3A_92] {strides = array<i32>} : memref<2x5120xi32, #tpu.memory_space<vmem>>, vector<16xi32>,
      %mul3A_94 = arith.constant 8 : i32
      %mul3A_95 = arith.muli %scan3A_24, %mul3A_94 : i32
      %add3A_96 = arith.constant 7 : i32
      %add3A_97 = arith.addi %mul3A_95, %add3A_96 : i32
      %mul3A_98 = arith.constant 16 : i32
      %mul3A_99 = arith.muli %add3A_97, %mul3A_98 : i32
      %get3A_100 = arith.constant 1 : i32
      %get3A_101 = arith.index_cast %get3A_100 : i32 to index
      %get3A_102 = arith.index_cast %mul3A_99 : i32 to index
      %get3A_103 = tpu.vector_load %arg4[%get3A_101, %get3A_102] {strides = array<i32>} : memref<2x5120xi32, #tpu.memory_space<vmem>>, vector<16xi32>,
      tpu.vector_store_idx %arg5[%get3A_33], %broadcast_in_dim3A_12 {add = true} : memref<10048xf32, #tpu.memory_space<vmem>>[vector<16xi32>], vector<16xf32>,
      tpu.vector_store_idx %arg5[%get3A_43], %broadcast_in_dim3A_12 {add = true} : memref<10048xf32, #tpu.memory_space<vmem>>[vector<16xi32>], vector<16xf32>,
      tpu.vector_store_idx %arg5[%get3A_53], %broadcast_in_dim3A_12 {add = true} : memref<10048xf32, #tpu.memory_space<vmem>>[vector<16xi32>], vector<16xf32>,
      tpu.vector_store_idx %arg5[%get3A_63], %broadcast_in_dim3A_12 {add = true} : memref<10048xf32, #tpu.memory_space<vmem>>[vector<16xi32>], vector<16xf32>,
      tpu.vector_store_idx %arg5[%get3A_73], %broadcast_in_dim3A_12 {add = true} : memref<10048xf32, #tpu.memory_space<vmem>>[vector<16xi32>], vector<16xf32>,
      tpu.vector_store_idx %arg5[%get3A_83], %broadcast_in_dim3A_12 {add = true} : memref<10048xf32, #tpu.memory_space<vmem>>[vector<16xi32>], vector<16xf32>,
      tpu.vector_store_idx %arg5[%get3A_93], %broadcast_in_dim3A_12 {add = true} : memref<10048xf32, #tpu.memory_space<vmem>>[vector<16xi32>], vector<16xf32>,
      tpu.vector_store_idx %arg5[%get3A_103], %broadcast_in_dim3A_12 {add = true} : memref<10048xf32, #tpu.memory_space<vmem>>[vector<16xi32>], vector<16xf32>,
    }
    %scan3A_18 = arith.constant 39 : i32
    %lt3A_19 = arith.constant 2 : i32
    %lt3A_20 = arith.cmpi slt, %add3A, %lt3A_19 : i32
    %convert_element_type3A_21 = arith.extui %lt3A_20 : i1 to i32
    %cond3A_22 = arith.constant 0 : i32
    %cond3A_23 = arith.cmpi ne, %convert_element_type3A_21, %cond3A_22 : i32
    scf.if %cond3A_23 {
      %scan3A_24 = arith.constant 0 : i32
      %scan3A_25 = arith.constant 0 : i32
      %mul3A_26 = arith.constant 8 : i32
      %mul3A_27 = arith.muli %scan3A_25, %mul3A_26 : i32
      %add3A_28 = arith.constant 0 : i32
      %add3A_29 = arith.addi %mul3A_27, %add3A_28 : i32
      %mul3A_30 = arith.constant 16 : i32
      %mul3A_31 = arith.muli %add3A_29, %mul3A_30 : i32
      %add3A_32 = arith.constant 4992 : i32
      %add3A_33 = arith.addi %add3A_32, %mul3A_31 : i32
      %get3A = arith.constant 1 : i32
      %get3A_34 = arith.index_cast %get3A : i32 to index
      %get3A_35 = arith.index_cast %add3A_33 : i32 to index
      %get3A_36 = tpu.vector_load %arg4[%get3A_34, %get3A_35] {strides = array<i32>} : memref<2x5120xi32, #tpu.memory_space<vmem>>, vector<16xi32>,
      %mul3A_37 = arith.constant 8 : i32
      %mul3A_38 = arith.muli %scan3A_25, %mul3A_37 : i32
      %add3A_39 = arith.constant 1 : i32
      %add3A_40 = arith.addi %mul3A_38, %add3A_39 : i32
      %mul3A_41 = arith.constant 16 : i32
      %mul3A_42 = arith.muli %add3A_40, %mul3A_41 : i32
      %add3A_43 = arith.constant 4992 : i32
      %add3A_44 = arith.addi %add3A_43, %mul3A_42 : i32
      %get3A_45 = arith.constant 1 : i32
      %get3A_46 = arith.index_cast %get3A_45 : i32 to index
      %get3A_47 = arith.index_cast %add3A_44 : i32 to index
      %get3A_48 = tpu.vector_load %arg4[%get3A_46, %get3A_47] {strides = array<i32>} : memref<2x5120xi32, #tpu.memory_space<vmem>>, vector<16xi32>,
      %mul3A_49 = arith.constant 8 : i32
      %mul3A_50 = arith.muli %scan3A_25, %mul3A_49 : i32
      %add3A_51 = arith.constant 2 : i32
      %add3A_52 = arith.addi %mul3A_50, %add3A_51 : i32
      %mul3A_53 = arith.constant 16 : i32
      %mul3A_54 = arith.muli %add3A_52, %mul3A_53 : i32
      %add3A_55 = arith.constant 4992 : i32
      %add3A_56 = arith.addi %add3A_55, %mul3A_54 : i32
      %get3A_57 = arith.constant 1 : i32
      %get3A_58 = arith.index_cast %get3A_57 : i32 to index
      %get3A_59 = arith.index_cast %add3A_56 : i32 to index
      %get3A_60 = tpu.vector_load %arg4[%get3A_58, %get3A_59] {strides = array<i32>} : memref<2x5120xi32, #tpu.memory_space<vmem>>, vector<16xi32>,
      %mul3A_61 = arith.constant 8 : i32
      %mul3A_62 = arith.muli %scan3A_25, %mul3A_61 : i32
      %add3A_63 = arith.constant 3 : i32
      %add3A_64 = arith.addi %mul3A_62, %add3A_63 : i32
      %mul3A_65 = arith.constant 16 : i32
      %mul3A_66 = arith.muli %add3A_64, %mul3A_65 : i32
      %add3A_67 = arith.constant 4992 : i32
      %add3A_68 = arith.addi %add3A_67, %mul3A_66 : i32
      %get3A_69 = arith.constant 1 : i32
      %get3A_70 = arith.index_cast %get3A_69 : i32 to index
      %get3A_71 = arith.index_cast %add3A_68 : i32 to index
      %get3A_72 = tpu.vector_load %arg4[%get3A_70, %get3A_71] {strides = array<i32>} : memref<2x5120xi32, #tpu.memory_space<vmem>>, vector<16xi32>,
      %mul3A_73 = arith.constant 8 : i32
      %mul3A_74 = arith.muli %scan3A_25, %mul3A_73 : i32
      %add3A_75 = arith.constant 4 : i32
      %add3A_76 = arith.addi %mul3A_74, %add3A_75 : i32
      %mul3A_77 = arith.constant 16 : i32
      %mul3A_78 = arith.muli %add3A_76, %mul3A_77 : i32
      %add3A_79 = arith.constant 4992 : i32
      %add3A_80 = arith.addi %add3A_79, %mul3A_78 : i32
      %get3A_81 = arith.constant 1 : i32
      %get3A_82 = arith.index_cast %get3A_81 : i32 to index
      %get3A_83 = arith.index_cast %add3A_80 : i32 to index
      %get3A_84 = tpu.vector_load %arg4[%get3A_82, %get3A_83] {strides = array<i32>} : memref<2x5120xi32, #tpu.memory_space<vmem>>, vector<16xi32>,
      %mul3A_85 = arith.constant 8 : i32
      %mul3A_86 = arith.muli %scan3A_25, %mul3A_85 : i32
      %add3A_87 = arith.constant 5 : i32
      %add3A_88 = arith.addi %mul3A_86, %add3A_87 : i32
      %mul3A_89 = arith.constant 16 : i32
      %mul3A_90 = arith.muli %add3A_88, %mul3A_89 : i32
      %add3A_91 = arith.constant 4992 : i32
      %add3A_92 = arith.addi %add3A_91, %mul3A_90 : i32
      %get3A_93 = arith.constant 1 : i32
      %get3A_94 = arith.index_cast %get3A_93 : i32 to index
      %get3A_95 = arith.index_cast %add3A_92 : i32 to index
      %get3A_96 = tpu.vector_load %arg4[%get3A_94, %get3A_95] {strides = array<i32>} : memref<2x5120xi32, #tpu.memory_space<vmem>>, vector<16xi32>,
      %mul3A_97 = arith.constant 8 : i32
      %mul3A_98 = arith.muli %scan3A_25, %mul3A_97 : i32
      %add3A_99 = arith.constant 6 : i32
      %add3A_100 = arith.addi %mul3A_98, %add3A_99 : i32
      %mul3A_101 = arith.constant 16 : i32
      %mul3A_102 = arith.muli %add3A_100, %mul3A_101 : i32
      %add3A_103 = arith.constant 4992 : i32
      %add3A_104 = arith.addi %add3A_103, %mul3A_102 : i32
      %get3A_105 = arith.constant 1 : i32
      %get3A_106 = arith.index_cast %get3A_105 : i32 to index
      %get3A_107 = arith.index_cast %add3A_104 : i32 to index
      %get3A_108 = tpu.vector_load %arg4[%get3A_106, %get3A_107] {strides = array<i32>} : memref<2x5120xi32, #tpu.memory_space<vmem>>, vector<16xi32>,
      %mul3A_109 = arith.constant 8 : i32
      %mul3A_110 = arith.muli %scan3A_25, %mul3A_109 : i32
      %add3A_111 = arith.constant 7 : i32
      %add3A_112 = arith.addi %mul3A_110, %add3A_111 : i32
      %mul3A_113 = arith.constant 16 : i32
      %mul3A_114 = arith.muli %add3A_112, %mul3A_113 : i32
      %add3A_115 = arith.constant 4992 : i32
      %add3A_116 = arith.addi %add3A_115, %mul3A_114 : i32
      %get3A_117 = arith.constant 1 : i32
      %get3A_118 = arith.index_cast %get3A_117 : i32 to index
      %get3A_119 = arith.index_cast %add3A_116 : i32 to index
      %get3A_120 = tpu.vector_load %arg4[%get3A_118, %get3A_119] {strides = array<i32>} : memref<2x5120xi32, #tpu.memory_space<vmem>>, vector<16xi32>,
      tpu.vector_store_idx %arg5[%get3A_36], %broadcast_in_dim3A_12 {add = true} : memref<10048xf32, #tpu.memory_space<vmem>>[vector<16xi32>], vector<16xf32>,
      tpu.vector_store_idx %arg5[%get3A_48], %broadcast_in_dim3A_12 {add = true} : memref<10048xf32, #tpu.memory_space<vmem>>[vector<16xi32>], vector<16xf32>,
      tpu.vector_store_idx %arg5[%get3A_60], %broadcast_in_dim3A_12 {add = true} : memref<10048xf32, #tpu.memory_space<vmem>>[vector<16xi32>], vector<16xf32>,
      tpu.vector_store_idx %arg5[%get3A_72], %broadcast_in_dim3A_12 {add = true} : memref<10048xf32, #tpu.memory_space<vmem>>[vector<16xi32>], vector<16xf32>,
      tpu.vector_store_idx %arg5[%get3A_84], %broadcast_in_dim3A_12 {add = true} : memref<10048xf32, #tpu.memory_space<vmem>>[vector<16xi32>], vector<16xf32>,
      tpu.vector_store_idx %arg5[%get3A_96], %broadcast_in_dim3A_12 {add = true} : memref<10048xf32, #tpu.memory_space<vmem>>[vector<16xi32>], vector<16xf32>,
      tpu.vector_store_idx %arg5[%get3A_108], %broadcast_in_dim3A_12 {add = true} : memref<10048xf32, #tpu.memory_space<vmem>>[vector<16xi32>], vector<16xf32>,
      tpu.vector_store_idx %arg5[%get3A_120], %broadcast_in_dim3A_12 {add = true} : memref<10048xf32, #tpu.memory_space<vmem>>[vector<16xi32>], vector<16xf32>,
      %scan3A_121 = arith.constant 1 : i32
    } else {
    }
    "tpu.region"() ({
      %run_scoped3A = tpu.sem_alloc : memref<!tpu.dma_semaphore, #tpu.memory_space<semaphore_mem>>
      %dma_start3A = arith.constant 0 : i32
      %dma_start3A_24 = tpu.memref_slice %arg3[%add3A, %dma_start3A] : memref<32x10048xf32, #tpu.memory_space<hbm>> -> memref<1x10048xf32, #tpu.memory_space<hbm>>
      %dma_start3A_25 = tpu.memref_squeeze %dma_start3A_24 : memref<1x10048xf32, #tpu.memory_space<hbm>> -> memref<10048xf32, #tpu.memory_space<hbm>>
      %dma_start3A_26 = arith.constant 0 : i32
      %dma_start3A_27 = tpu.memref_slice %arg3[%add3A, %dma_start3A_26] : memref<32x10048xf32, #tpu.memory_space<hbm>> -> memref<1x10048xf32, #tpu.memory_space<hbm>>
      %dma_start3A_28 = tpu.memref_squeeze %dma_start3A_27 : memref<1x10048xf32, #tpu.memory_space<hbm>> -> memref<10048xf32, #tpu.memory_space<hbm>>
      tpu.enqueue_dma source(%arg5 : memref<10048xf32, #tpu.memory_space<vmem>>) target(%dma_start3A_28 : memref<10048xf32, #tpu.memory_space<hbm>>) target_semaphore(%run_scoped3A : memref<!tpu.dma_semaphore, #tpu.memory_space<semaphore_mem>>)
      %dma_wait3A = arith.constant 0 : i32
      %dma_wait3A_29 = tpu.memref_slice %arg3[%add3A, %dma_wait3A] : memref<32x10048xf32, #tpu.memory_space<hbm>> -> memref<1x10048xf32, #tpu.memory_space<hbm>>
      %dma_wait3A_30 = tpu.memref_squeeze %dma_wait3A_29 : memref<1x10048xf32, #tpu.memory_space<hbm>> -> memref<10048xf32, #tpu.memory_space<hbm>>
      %dma_wait3A_31 = arith.constant 0 : i32
      %dma_wait3A_32 = tpu.memref_slice %arg3[%add3A, %dma_wait3A_31] : memref<32x10048xf32, #tpu.memory_space<hbm>> -> memref<1x10048xf32, #tpu.memory_space<hbm>>
      %dma_wait3A_33 = tpu.memref_squeeze %dma_wait3A_32 : memref<1x10048xf32, #tpu.memory_space<hbm>> -> memref<10048xf32, #tpu.memory_space<hbm>>
      tpu.wait_dma2 semaphore(%run_scoped3A : memref<!tpu.dma_semaphore, #tpu.memory_space<semaphore_mem>>) src(%arg5 : memref<10048xf32, #tpu.memory_space<vmem>>) dst(%dma_wait3A_33 : memref<10048xf32, #tpu.memory_space<hbm>>)
      tpu.yield
    }) : () -> ()
    return
  }
}

module attributes {stable_mosaic.version = 14 : i64} {
  func.func @_mm_body(%arg0: i32, %arg1: memref<2048x256xf32, #tpu.memory_space<vmem>>, %arg2: memref<256x256xf32, #tpu.memory_space<vmem>>, %arg3: memref<32x2048xf32, #tpu.memory_space<vmem>>, %arg4: memref<2048x256xf32, #tpu.memory_space<vmem>>) attributes {dimension_semantics = [#tpu.dimension_semantics<arbitrary>], iteration_bounds = array<i64: 5>, scalar_prefetch = 0 : i64, scratch_operands = 0 : i64, tpu.core_type = #tpu.core_type<tc>, window_params = [{transform_indices = @transform_0, window_bounds = array<i64: 2048, 256>}, {pipeline_mode = #tpu.pipeline_mode<synchronous>, transform_indices = @transform_1, window_bounds = array<i64: 256, 256>}, {transform_indices = @transform_2, window_bounds = array<i64: 32, 2048>}, {transform_indices = @transform_3, window_bounds = array<i64: 2048, 256>}]} {
    %get3A = arith.constant 0 : index
    %get3A_0 = arith.constant 0 : index
    %get3A_1 = vector.load %arg3[%get3A, %get3A_0] : memref<32x2048xf32, #tpu.memory_space<vmem>>, vector<32x2048xf32>
    %reduce_sum3A = arith.constant dense<0.000000e+00> : vector<2048xf32>
    %reduce_sum3A_2 = vector.multi_reduction <add>, %get3A_1, %reduce_sum3A [0] : vector<32x2048xf32> to vector<2048xf32>
    %add3A = arith.constant 1.000000e+00 : f32
    %add3A_3 = vector.broadcast %add3A : f32 to vector<2048xf32>
    %add3A_4 = arith.addf %reduce_sum3A_2, %add3A_3 : vector<2048xf32>
    %get3A_5 = arith.constant 0 : index
    %get3A_6 = arith.constant 0 : index
    %get3A_7 = vector.load %arg1[%get3A_5, %get3A_6] : memref<2048x256xf32, #tpu.memory_space<vmem>>, vector<2048x256xf32>
    %get3A_8 = arith.constant 0 : index
    %get3A_9 = arith.constant 0 : index
    %get3A_10 = vector.load %arg2[%get3A_8, %get3A_9] : memref<256x256xf32, #tpu.memory_space<vmem>>, vector<256x256xf32>
    %dot_general3A = arith.constant dense<0.000000e+00> : vector<2048x256xf32>
    %dot_general3A_11 = tpu.matmul %get3A_7, %get3A_10, %dot_general3A {dimension_numbers = #tpu.dot_dimension_numbers<[1], [1], [0], [0], [0, 0, 1, 0], [], []>, transpose_lhs_hint = false} : vector<2048x256xf32>, vector<256x256xf32>, vector<2048x256xf32> -> vector<2048x256xf32>
    %broadcast_in_dim3A = vector.shape_cast %add3A_4 : vector<2048xf32> to vector<2048x1xf32>
    %mul3A = vector.broadcast %broadcast_in_dim3A : vector<2048x1xf32> to vector<2048x256xf32>
    %mul3A_12 = arith.mulf %dot_general3A_11, %mul3A : vector<2048x256xf32>
    %swap3A = arith.constant 0 : index
    %swap3A_13 = arith.constant 0 : index
    %swap3A_14 = vector.load %arg4[%swap3A, %swap3A_13] : memref<2048x256xf32, #tpu.memory_space<vmem>>, vector<2048x256xf32>
    tpu.vector_store %arg4[%swap3A, %swap3A_13], %mul3A_12 {strides = array<i32>} : memref<2048x256xf32, #tpu.memory_space<vmem>>, vector<2048x256xf32>,
    return
  }
  func.func @transform_0(%arg0: i32) -> (i32, i32) {
    %c0_i32 = arith.constant 0 : i32
    %c0_i32_0 = arith.constant 0 : i32
    return %arg0, %c0_i32 : i32, i32
  }
  func.func @transform_1(%arg0: i32) -> (i32, i32) {
    %c0_i32 = arith.constant 0 : i32
    %c0_i32_0 = arith.constant 0 : i32
    %c0_i32_1 = arith.constant 0 : i32
    return %c0_i32, %c0_i32_0 : i32, i32
  }
  func.func @transform_2(%arg0: i32) -> (i32, i32) {
    %c0_i32 = arith.constant 0 : i32
    %c0_i32_0 = arith.constant 0 : i32
    return %c0_i32, %arg0 : i32, i32
  }
  func.func @transform_3(%arg0: i32) -> (i32, i32) {
    %c0_i32 = arith.constant 0 : i32
    %c0_i32_0 = arith.constant 0 : i32
    return %arg0, %c0_i32 : i32, i32
  }
}

</mosaic_0001>

<sc_bundles>
// kernel: kernel.4.cloned.1.call-start
scs
__scs_entry_jumppad:
0x0: {  	(pc) =	sbr.rel $0x88, $3  }
0x1: {  	(tag) =	ssettag $0x0;
	lr =	simm.s32 $0x1  }
0x2: {  	[smem:$0x3F9E] =	sst lr;
	_ =	strace $0xD0000000  }
0x3: {  	_ = 	snop  }
0x4: {  	_ = 	snop  }
0x5: {  	_ = 	snop  }
0x6: {  	_ = 	snop  }
0x7: {  	_ = 	snop  }
__scs_overlays_trampoline_lowered:
0x8: {  	[smem:$0x3FAD] =	sst s0  }
0x9: {  	[smem:$0x3FAE] =	sst s1  }
0xa: {  	[smem:$0x3FAF] =	sst s2  }
0xb: {  	[smem:$0x3FB0] =	sst s3  }
0xc: {  	[smem:$0x3FB1] =	sst s4  }
0xd: {  	[smem:$0x3FB2] =	sst s5  }
0xe: {  	[smem:$0x3FB3] =	sst s6  }
0xf: {  	[smem:$0x3FB4] =	sst s7  }
0x10: {  	[smem:$0x3FB5] =	sst s8  }
0x11: {  	[smem:$0x3FB6] =	sst s9;
	s0 =	simm.s32 @!p0 $0x0  }
0x12: {  	s1 =	sld [smem:$0x3F9C];
	s0 =	simm.s32 @p0 $0x1  }
0x13: {  	[smem:$0x3FB7] =	sst s0;
	s0 =	simm.s32 @!p1 $0x0  }
0x14: {  	s2 =	sld [smem:$0x3F9B];
	s0 =	simm.s32 @p1 $0x1  }
0x15: {  	[smem:$0x3FB8] =	sst s0;
	s0 =	simm.s32 @!p2 $0x0  }
0x16: {  	s3 =	sld [smem:$0x3FDB];
	s0 =	simm.s32 @p2 $0x1  }
0x17: {  	s4 =	simm.s32 $0x1BF5;
	[smem:$0x3FBA] =	sst s0  }
0x18: {  	s0 =	sld [smem:$0x3F9D];
	_ =	swait.ge [sflag:s4], $0x0  }
0x19: {  	s7 =	sld [smem:$0x3F9E]  }
0x1a: {  	s8 =	sadd.s32 $0xFFFFE003, lr  }
0x1b: {  	s9 =	sadd.s32 $0xFFFFFEF7, lr;
	s5 =	simm.s32 $0xFFFFFFFF;
	p2 =	slt.u32 s8, $0xFFFFF086  }
0x1c: {  	p1 =	slt.u32 s9, $0xF7A;
	s5 =	simm.s32 @!p2 $0x0  }
0x1d: {  	s5 =	simm.s32 @p1 $0x1;
	p0 =	seq.s32 s7, s2  }
0x1e: {  	s7 =	smul.u32 @!p0 $0xF7A, s2;
	p2 =	seq.s32 @!p0 s5, $0x0  }
0x1f: {  	s9 =	smul.u32 $0xF7A, s1;
	s8 =	simm.s32 @!p0 $0x1BF5;
	p2 =	por !p2, p0  }
0x20: {  	[sflag:s8] =	ssyncset.s32 @!p0 $0xFFFFF086;
	s6 =	sadd.s32 @!p0 s3, s7;
	s7 =	simm.s32 @!p0 $0x108  }
0x21: {  	s3 =	sadd.s32 s3, s9;
	s6 =	sadd.s32 @!p0 $0x88, s6;
	s7 =	simm.s32 @p2 $0x1082  }
0x22: {  	[simem:s7], [sflag:s8] =	dma.local @!p0 [hbm:s6], $0xF7A  }
0x23: {  	s9 =	sor.u32 $0xD0000000, s2;
	s6 =	simm.s32 $0x108;
	_ =	swait.ge @!p0 [sflag:s8], $0x0  }
0x24: {  	s3 =	sadd.s32 $0x88, s3;
	s6 =	simm.s32 @!p1 $0x1082;
	[sflag:s4] =	ssyncset.s32 $0xFFFFF086  }
0x25: {  	[simem:s6], [sflag:s4] =	dma.local [hbm:s3], $0xF7A  }
0x26: {  	[smem:$0x3F9E] =	sst s1;
	(tag) =	ssettag s2;
	_ =	strace s9  }
0x27: {  	s1 =	sld [smem:$0x3FAE]  }
0x28: {  	s2 =	sld [smem:$0x3FAF]  }
0x29: {  	s4 =	sld [smem:$0x3FB1]  }
0x2a: {  	p0 =	seq.s32 s5, $0x0;
	s5 =	sld [smem:$0x3FB2]  }
0x2b: {  	s6 =	sld [smem:$0x3FB3]  }
0x2c: {  	s7 =	sld [smem:$0x3FB4]  }
0x2d: {  	s3 =	simm.s32 $0x108;
	s8 =	sld [smem:$0x3FB5]  }
0x2e: {  	s3 =	simm.s32 @!p0 $0x1082;
	s9 =	sld [smem:$0x3FB6]  }
0x2f: {  	lr =	sadd.s32 s0, s3;
	s0 =	sld [smem:$0x3FAD]  }
0x30: {  	s3 =	sld [smem:$0x3FB0]  }
0x31: {  	[smem:$0x3FB9] =	sst s10  }
0x32: {  	s10 =	sld [smem:$0x3FB7];
	_ =	sdelay $0x3  }
0x33: {  	p0 =	seq.s32 s10, $0x1;
	s10 =	sld [smem:$0x3FB9];
	_ =	sdelay $0x3  }
0x34: {  	[smem:$0x3FB9] =	sst s10  }
0x35: {  	s10 =	sld [smem:$0x3FB8];
	_ =	sdelay $0x3  }
0x36: {  	p1 =	seq.s32 s10, $0x1;
	s10 =	sld [smem:$0x3FB9];
	_ =	sdelay $0x3  }
0x37: {  	[smem:$0x3FB9] =	sst s10  }
0x38: {  	s10 =	sld [smem:$0x3FBA]  }
0x39: {  	_ = 	snop;
	(pc) =	sbr.ind lr, $3  }
0x3a: {  	_ = 	snop  }
0x3b: {  	_ = 	snop  }
0x3c: {  	p2 =	seq.s32 s10, $0x1;
	s10 =	sld [smem:$0x3FB9]  }
0x3d: {  	_ =	shalt  }
0x3e: {  	_ =	shalt  }
0x3f: {  	_ =	shalt  }
0x40: {  	_ =	shalt  }
0x41: {  	_ =	shalt  }
0x42: {  	_ =	shalt  }
0x43: {  	_ =	shalt  }
0x44: {  	_ =	shalt  }
0x45: {  	_ =	shalt  }
0x46: {  	_ =	shalt  }
0x47: {  	_ =	shalt  }
0x48: {  	_ =	shalt  }
0x49: {  	_ =	shalt  }
0x4a: {  	_ =	shalt  }
0x4b: {  	_ =	shalt  }
0x4c: {  	_ =	shalt  }
0x4d: {  	_ =	shalt  }
0x4e: {  	_ =	shalt  }
0x4f: {  	_ =	shalt  }
0x50: {  	_ =	shalt  }
0x51: {  	_ =	shalt  }
0x52: {  	_ =	shalt  }
0x53: {  	_ =	shalt  }
0x54: {  	_ =	shalt  }
0x55: {  	_ =	shalt  }
0x56: {  	_ =	shalt  }
0x57: {  	_ =	shalt  }
0x58: {  	_ =	shalt  }
0x59: {  	_ =	shalt  }
0x5a: {  	_ =	shalt  }
0x5b: {  	_ =	shalt  }
0x5c: {  	_ =	shalt  }
0x5d: {  	_ =	shalt  }
0x5e: {  	_ =	shalt  }
0x5f: {  	_ =	shalt  }
0x60: {  	_ =	shalt  }
0x61: {  	_ =	shalt  }
0x62: {  	_ =	shalt  }
0x63: {  	_ =	shalt  }
0x64: {  	_ =	shalt  }
0x65: {  	_ =	shalt  }
0x66: {  	_ =	shalt  }
0x67: {  	_ =	shalt  }
0x68: {  	_ =	shalt  }
0x69: {  	_ =	shalt  }
0x6a: {  	_ =	shalt  }
0x6b: {  	_ =	shalt  }
0x6c: {  	_ =	shalt  }
0x6d: {  	_ =	shalt  }
0x6e: {  	_ =	shalt  }
0x6f: {  	_ =	shalt  }
0x70: {  	_ =	shalt  }
0x71: {  	_ =	shalt  }
0x72: {  	_ =	shalt  }
0x73: {  	_ =	shalt  }
0x74: {  	_ =	shalt  }
0x75: {  	_ =	shalt  }
0x76: {  	_ =	shalt  }
0x77: {  	_ =	shalt  }
0x78: {  	_ =	shalt  }
0x79: {  	_ =	shalt  }
0x7a: {  	_ =	shalt  }
0x7b: {  	_ =	shalt  }
0x7c: {  	_ =	shalt  }
0x7d: {  	_ =	shalt  }
0x7e: {  	_ =	shalt  }
0x7f: {  	_ =	shalt  }
0x80: {  	_ =	shalt  }
0x81: {  	_ =	shalt  }
0x82: {  	_ =	shalt  }
0x83: {  	_ =	shalt  }
0x84: {  	_ =	shalt  }
0x85: {  	_ =	shalt  }
0x86: {  	_ =	shalt  }
0x87: {  	_ =	shalt  }
.Lfunc_end0:
.L_simem_size_0:
called_computation_lowered:
.L_overlay_start_0:
0x88: {  	s2 =	sld [smem:$0x3FD9]  }
0x89: {  	s3 =	sld [smem:$0x3FFE];
	_ =	sdelay $0x1  }
0x8a: {  	s1 =	srdreg.scid  }
0x8b: {  	s0 =	sand.u32 $0x1, s1  }
0x8c: {  	s18 =	sshll.u32 s0, $0xA;
	s2 =	sadd.s32 s3, s2  }
0x8d: {  	s2 =	sadd.s32 s2, s18  }
0x8e: {  	[smem:$0x3FC5] =	sst s2  }
0x8f: {  	_ = 	snop  }
0x90: {  	s2 =	sld [smem:$0x3FC8]  }
0x91: {  	s19 =	sld [smem:$0x3FD0];
	(tm) =	ssettm $0x1  }
0x92: {  	s4 =	sld [smem:$0x3FFB];
	_ =	sdelay $0x3  }
0x93: {  	_ =	strace s4  }
0x94: {  	s4 =	sld [smem:$0x3FFC];
	_ =	sdelay $0x3  }
0x95: {  	_ =	strace s4  }
0x96: {  	s4 =	sld [smem:$0x3FFD];
	_ =	sdelay $0x3  }
0x97: {  	_ =	strace s4  }
0x98: {  	_ =	strace $0x8FFFFFFF  }
0x99: {  	s20 =	sld [smem:$0x3FDB];
	_ =	sdelay $0x1  }
0x9a: {  	s5 =	simm.s32 $_scs_section_size  }
0x9b: {  	s6 =	simm.s32 $_size__tile_overlayer_lowered;
	s7 =	simm.s32 $_tile_overlayer_lowered  }
0x9c: {  	s23 =	simm.s32 $0x1BFF;
	s22 =	sshll.u32 s7, $0x1;
	s4 =	sadd.s32 s5, s20  }
0x9d: {  	s8 =	simm.s32 $0x0;
	s21 =	sshll.u32 s6, $0x1;
	s6 =	sadd.s32 s22, s4  }
0x9e: {  	[timem:s8], [sflag:s23] =	dma.local [hbm:s6], s21  }
0x9f: {  	_ =	swait.ge [sflag:s23], s21  }
0xa0: {  	s5 =	ssub.s32 $0x0, s21;
	[sflag:s23] =	ssyncset.done $0x0  }
0xa1: {  	[sflag:s23] =	ssyncadd.s32 s5;
	_ =	sdelay $0x1  }
0xa2: {  	s24 =	simm.s32 $0x1B8B  }
0xa3: {  	_ =	swait.ge [sflag:s24], $0x1  }
0xa4: {  	[sflag:s24] =	ssyncset.done $0x0  }
0xa5: {  	s25 =	simm.s32 $0x1B8E;
	[sflag:s24] =	ssyncadd.s32 $0xFFFFFFFF  }
0xa6: {  	s26 =	simm.s32 $execute0_lowered;
	[smem:$0x3FD2] =	sst s25  }
0xa7: {  	s5 =	sshll.u32 s26, $0x1;
	_ =	strace $0x80000046;
	[dreg:$0x1] =	wrdreg $0xFFFFFFFF  }
0xa8: {  	s28 =	simm.s32 $_size_execute0_lowered;
	s4 =	sadd.s32 s4, s5;
	[dreg:$0x0] =	wrdreg $0x0  }
0xa9: {  	s5 =	sshll.u32 s28, $0x1;
	[dreg:$0x2] =	wrdreg s4  }
0xaa: {  	[dreg:$0x3] =	wrdreg s5  }
0xab: {  	[dreg:$0x4] =	wrdreg $0xC0  }
0xac: {  	_ =	task [dreg:s8], $0x5FFFF  }
0xad: {  	[dreg:$0x1] =	wrdreg $0xFFFFFFFF  }
0xae: {  	[dreg:$0x0] =	wrdreg $0x60  }
0xaf: {  	[dreg:$0x2] =	wrdreg s2  }
0xb0: {  	[dreg:$0x3] =	wrdreg s19  }
0xb1: {  	[dreg:$0x4] =	wrdreg $0x9  }
0xb2: {  	_ =	task.clear_ibuf [dreg:s8], $0x5FFFF;
	_ =	strace $0x90000046  }
0xb3: {  	s29 =	simm.s32 $0x9;
	_ =	strace $0x80000048  }
0xb4: {  	_ =	swait.ge [sflag:s29], $0x1  }
0xb5: {  	[sflag:s29] =	ssyncadd.s32 $0xFFFFFFFF  }
0xb6: {  	_ =	strace $0x90000048  }
0xb7: {  	_ =	sfence  }
0xb8: {  	s30 =	sld [smem:$0x0];
	_ =	sdelay $0x2  }
0xb9: {  	s31 =	sshll.u32 s1, $0xD;
	s1 =	sshrl.u32 s1, $0x2  }
0xba: {  	s3 =	sand.u32 $0x4000, s31;
	s1 =	sadd.s32 s1, s30  }
0xbb: {  	s0 =	sor.u32 s3, s0;
	s1 =	sshll.u32 s1, $0x11  }
0xbc: {  	s0 =	sor.u32 s1, s0  }
0xbd: {  	s0 =	sadd.s32 $0x8F2B, s0  }
0xbe: {  	[sflag:s0] =	ssyncadd.remote.s32 $0x1  }
0xbf: {  	_ =	sfence.sel $0xFFFF  }
0xc0: {  	[dreg:$0x0] =	wrdreg $0xFFFFFFFF;
	(pc) =	sbr.abs _section_cstart, $3  }
0xc1: {  	[dreg:$0x1] =	wrdreg $0xFFFFFFFF  }
0xc2: {  	_ =	task.clear_ibuf [dreg:s8], $0x2FFFF;
	_ =	strace $0x9FFFFFFF  }
0xc3: {  	(tm) =	ssettm $0x7FFFFFFF  }
tec
execute0_lowered:
.L_overlay_start_1:
0x0: {  	(tag) =	ssettag $0x1  }
0x1: {  	s3 =	rddreg [dreg:$0x0]  }
0x2: {  	s4 =	rddreg [dreg:$0x1]  }
0x3: {  	s0 =	rddreg [dreg:$0x2]  }
0x4: {  	s1 =	simm.s32 $0x0;
	s2 =	srdreg.scid;
	s6 =	stileid.u32  }
0x5: {  	[smem:$0x7FF] =	sst s1;
	s2 =	sand.u32 $0x1, s2;
	s5 =	sshll.u32 s6, $0x1  }
0x6: {  	s7 =	sshrl.u32 s6, $0x2;
	p0 =	sne.s32 s6, $0x0;
	s6 =	simm.s32 $0x1  }
0x7: {  	_ =	strace $0x80000047;
	s5 =	sor.u32 s2, s5;
	s8 =	ssub.s32 $0x2, s2  }
0x8: {  	s7 =	smul.u32 $0x13C00, s7;
	s30 =	sshll.u32 s2, $0x5;
	s9 =	sshll.u32 s5, $0x7  }
0x9: {  	s10 =	sshrl.u32 s8, $0x1;
	s5 =	smul.u32 $0x4E0, s5;
	s9 =	sand.u32 $0x380, s9  }
0xa: {  	s8 =	ssub.s32 s8, s10;
	s10 =	simm.s32 $0x0;
	s7 =	sor.u32 s7, s9  }
0xb: {  	s2 =	sadd.s32 s3, s5;
	s3 =	sadd.s32 s30, s3;
	s5 =	smax.u32 s8, $0x1  }
0xc: {  	s8 =	simm.s32 $0x80;
	s9 =	simm.s32 $0x400;
	s31 =	sshrl.u32 s7, $0x3  }
0xd: {  	v0 =	vimm.f32 $0.0e+00;
	v1 =	vimm.f32 $1.000000000e+00;
	s3 =	sadd.s32 $0x9C00, s3;
	s7 =	simm.s32 $0x2800;
	s4 =	sadd.s32 s4, s31  }
.LBB2_1:
0xe: {  	[tilespmem:s1], [sflag:$0x1] =	stream.linear.gather [hbm4b:s2+s1], $0x2700, $0x38;
	[tilespmem:$0x4F80] =	vst v63  }
0xf: {  	_ =	swait.ge [sflag:s6], $0x2700  }
0x10: {  	[sflag:s6] =	ssyncset.done $0x0  }
0x11: {  	s11 =	simm.s32 @!p0 $0x0;
	s12 =	simm.s32 @!p0 $0x2700;
	[sflag:s6] =	ssyncadd.s32 $0xFFFFD900  }
0x12: {  	[tilespmem:s12], [sflag:$0x1] =	stream.linear.gather @!p0 [hbm4b:s3+s11], $0x100, $0x38;
	[tilespmem:$0x4F80] =	vst v63  }
0x13: {  	s11 =	simm.s32 @!p0 $0x1  }
0x14: {  	_ =	swait.ge @!p0 [sflag:s11], $0x100  }
0x15: {  	[sflag:s11] =	ssyncset.done @!p0 $0x0  }
0x16: {  	[sflag:s11] =	ssyncadd.s32 @!p0 $0xFFFFFF00;
	s11 =	simm.s32 $0x0  }
.LBB2_2:
0x17: {  	p1 =	sne.s32 s11, $0x9C00  }
.Ltmp0:
0x18: {  	s12 =	sshra.s32 s11, $0x2;
	(pc) =	sbr.rel @p1 .LBB2_2-.Ltmp0, $4  }
0x19: {  	[tilespmem:s12+$0x2800] =	vst v0  }
0x1a: {  	[tilespmem:s12+$0x2810] =	vst v0  }
0x1b: {  	[tilespmem:s12+$0x2820] =	vst v0  }
0x1c: {  	s11 =	sadd.s32 $0x100, s11;
	[tilespmem:s12+$0x2830] =	vst v0  }
0x1d: {  	s11 =	simm.s32 $0x0  }
0x1e: {  	v3 =	vld [tilespmem:s11+$0x80]  }
0x1f: {  	v4 =	vld [tilespmem:s11+$0x90]  }
0x20: {  	v5 =	vld [tilespmem:s11+$0xA0]  }
0x21: {  	v6 =	vld [tilespmem:s11+$0xB0]  }
0x22: {  	v7 =	vld [tilespmem:s11+$0xC0]  }
0x23: {  	v8 =	vld [tilespmem:s11+$0xD0]  }
0x24: {  	v9 =	vld [tilespmem:s11+$0xE0]  }
0x25: {  	v2 =	vld [tilespmem:s11+$0xF0]  }
0x26: {  	[tilespmem:v3+s7+$0x0] =	vst.idx.add.f32.msk $0xffff, v1  }
0x27: {  	[tilespmem:v4+s7+$0x0] =	vst.idx.add.f32.msk $0xffff, v1  }
0x28: {  	[tilespmem:v5+s7+$0x0] =	vst.idx.add.f32.msk $0xffff, v1  }
0x29: {  	[tilespmem:v6+s7+$0x0] =	vst.idx.add.f32.msk $0xffff, v1  }
0x2a: {  	[tilespmem:v7+s7+$0x0] =	vst.idx.add.f32.msk $0xffff, v1  }
0x2b: {  	[tilespmem:v8+s7+$0x0] =	vst.idx.add.f32.msk $0xffff, v1  }
0x2c: {  	s11 =	simm.s32 $0x400;
	[tilespmem:v9+s7+$0x0] =	vst.idx.add.f32.msk $0xffff, v1  }
.LBB2_4:
0x2d: {  	s12 =	sshra.s32 s11, $0x2;
	p1 =	sne.s32 s11, $0x9800;
	s11 =	sadd.s32 $0x400, s11;
	[tilespmem:v2+s7+$0x0] =	vst.idx.add.f32.msk $0xffff, v1  }
0x2e: {  	v3 =	vld [tilespmem:s12+$0x80]  }
0x2f: {  	v4 =	vld [tilespmem:s12+$0x90]  }
0x30: {  	v5 =	vld [tilespmem:s12+$0xA0]  }
0x31: {  	v6 =	vld [tilespmem:s12+$0xB0]  }
0x32: {  	v7 =	vld [tilespmem:s12+$0xC0]  }
0x33: {  	v8 =	vld [tilespmem:s12+$0xD0]  }
0x34: {  	v9 =	vld [tilespmem:s12+$0xE0]  }
0x35: {  	v2 =	vld [tilespmem:s12+$0xF0]  }
0x36: {  	[tilespmem:v3+s7+$0x0] =	vst.idx.add.f32.msk $0xffff, v1  }
0x37: {  	[tilespmem:v4+s7+$0x0] =	vst.idx.add.f32.msk $0xffff, v1  }
.Ltmp1:
0x38: {  	[tilespmem:v5+s7+$0x0] =	vst.idx.add.f32.msk $0xffff, v1;
	(pc) =	sbr.rel @p1 .LBB2_4-.Ltmp1, $4  }
0x39: {  	[tilespmem:v6+s7+$0x0] =	vst.idx.add.f32.msk $0xffff, v1  }
0x3a: {  	[tilespmem:v7+s7+$0x0] =	vst.idx.add.f32.msk $0xffff, v1  }
0x3b: {  	[tilespmem:v8+s7+$0x0] =	vst.idx.add.f32.msk $0xffff, v1  }
0x3c: {  	[tilespmem:v9+s7+$0x0] =	vst.idx.add.f32.msk $0xffff, v1  }
0x3d: {  	_ =	sdelay $0x3  }
0x3e: {  	[tilespmem:v2+s7+$0x0] =	vst.idx.add.f32.msk $0xffff, v1  }
0x3f: {  	v2 =	vld @!p0 [tilespmem:$0x2780]  }
0x40: {  	v3 =	vld @!p0 [tilespmem:$0x2790]  }
0x41: {  	v4 =	vld @!p0 [tilespmem:$0x27A0]  }
0x42: {  	v5 =	vld @!p0 [tilespmem:$0x27B0]  }
0x43: {  	v6 =	vld @!p0 [tilespmem:$0x27C0]  }
0x44: {  	v7 =	vld @!p0 [tilespmem:$0x27D0]  }
0x45: {  	v8 =	vld @!p0 [tilespmem:$0x27E0]  }
0x46: {  	v10 =	vimm.f32 @!p0 $1.000000000e+00;
	s11 =	simm.s32 @!p0 $0x2800;
	v9 =	vld @!p0 [tilespmem:$0x27F0]  }
0x47: {  	[tilespmem:v2+s11+$0x0] =	vst.idx.add.f32.msk @!p0 $0xffff, v10  }
0x48: {  	[tilespmem:v3+s11+$0x0] =	vst.idx.add.f32.msk @!p0 $0xffff, v10  }
0x49: {  	[tilespmem:v4+s11+$0x0] =	vst.idx.add.f32.msk @!p0 $0xffff, v10  }
0x4a: {  	[tilespmem:v5+s11+$0x0] =	vst.idx.add.f32.msk @!p0 $0xffff, v10  }
0x4b: {  	[tilespmem:v6+s11+$0x0] =	vst.idx.add.f32.msk @!p0 $0xffff, v10  }
0x4c: {  	s10 =	sadd.s32 $0x1, s10;
	[tilespmem:v7+s11+$0x0] =	vst.idx.add.f32.msk @!p0 $0xffff, v10  }
0x4d: {  	p1 =	sne.s32 s10, s5;
	[tilespmem:v8+s11+$0x0] =	vst.idx.add.f32.msk @!p0 $0xffff, v10  }
.Ltmp2:
0x4e: {  	[tilespmem:v9+s11+$0x0] =	vst.idx.add.f32.msk @!p0 $0xffff, v10;
	(pc) =	sbr.rel @p1 .LBB2_1-.Ltmp2, $4  }
0x4f: {  	[hbm4b:s4+s8] =	stream.strided.scatter [tilespmem:s7], [sflag:$0x1], $0x2780, s9, s8, $0x38;
	[tilespmem:$0x4F80] =	vst v63  }
0x50: {  	_ =	swait.ge [sflag:s6], $0x2780  }
0x51: {  	[sflag:s6] =	ssyncset.done $0x0  }
0x52: {  	[sflag:s6] =	ssyncadd.s32 $0xFFFFD880  }
0x53: {  	_ =	sfence.sel $0x180000  }
0x54: {  	[bflag:$0x0] =	sbarrier.arrive $0xFFFF  }
0x55: {  	_ =	strace $0x90000047  }
0x56: {  	s0 =	sadd.s32 @!p0 $0x100000, s0;
	[bflag:$0x2] =	sbarrier.arrive $0xFFFF  }
0x57: {  	[sflag:s0] =	ssyncadd.tile.s32 @!p0 $0x1;
	_ =	shalt  }
.Lfunc_end2:
_tile_overlayer_lowered:
.L_overlay_start_2:
0x58: {  	(tag) =	ssettag $0x2  }
0x59: {  	s0 =	rddreg [dreg:$0x0];
	s2 =	stileid.u32  }
0x5a: {  	s1 =	rddreg [dreg:$0x1];
	p0 =	sne.s32 s2, $0x0  }
0x5b: {  	s3 =	rddreg [dreg:$0x2];
	[bflag:$0x3] =	sbarrier.arrive $0xFFFF;
	s2 =	simm.s32 @!p0 $0x1C01  }
0x5c: {  	[timem:s3], [sflag:s2] =	dma.local @!p0 [hbm:s0], s1  }
0x5d: {  	s0 =	simm.s32 @!p0 $0x1  }
0x5e: {  	_ =	swait.ge @!p0 [sflag:s0], s1  }
0x5f: {  	s1 =	ssub.s32 @!p0 $0x0, s1;
	[sflag:s0] =	ssyncset.done @!p0 $0x0  }
0x60: {  	[sflag:s0] =	ssyncadd.s32 @!p0 s1  }
0x61: {  	[bflag:$0x3] =	sbarrier.arrive $0xFFFF  }
0x62: {  	_ =	shalt  }

</sc_bundles>
